<compile_context>
chip_gen: v7x
topology: tpu7x:2x2x1
jax: 0.10.2.dev20260603
libtpu: 0.0.44.dev20260713+nightly
codegen_flags: <defaults>
</compile_context>

<pallas_src>
import functools

import jax
import jax.numpy as jnp
from jax import lax
from jax.experimental import pallas as pl
from jax.experimental.pallas import tpu as pltpu
from jax.experimental.pallas import tpu_sc as plsc

_NC = 2
_NS = 16
_NW = _NC * _NS

_CHUNK = 2048
_SEG = 20000

_HALF = 0x8000
_LO = 0xFFFF
_HI = -65536


def _sc_gather_packed(idx, intercepts, slopes):
  n = idx.shape[0]
  s = intercepts.shape[0]
  per_w = n // _NW
  chunks = per_w // _CHUNK
  n_pieces = s // _SEG
  stage_iters = (n_pieces + _NS - 1) // _NS
  mesh = plsc.VectorSubcoreMesh(core_axis_name="c", subcore_axis_name="s")

  @functools.partial(
      pl.kernel,
      mesh=mesh,
      out_type=jax.ShapeDtypeStruct((n,), jnp.int32),
      scratch_types=[
          pltpu.VMEM_SHARED((s,), jnp.int32),
          pltpu.VMEM((_SEG,), jnp.float32),
          pltpu.VMEM((_SEG,), jnp.float32),
          pltpu.VMEM((_SEG,), jnp.int32),
          pltpu.VMEM((_CHUNK,), jnp.int32),
          pltpu.VMEM((_CHUNK,), jnp.int32),
          pltpu.SemaphoreType.DMA,
      ],
  )
  def run(idx_hbm, ri_hbm, rs_hbm, out_hbm,
          s_tab, stage_a, stage_b, stage_p, idx_v, p_v, sem):
    cid = lax.axis_index("c")
    sid = lax.axis_index("s")

    def stage_body(k, carry):
      piece = k * _NS + sid

      @pl.when(piece < n_pieces)
      def _():
        off = piece * _SEG
        pltpu.sync_copy(ri_hbm.at[pl.ds(off, _SEG)], stage_a)
        pltpu.sync_copy(rs_hbm.at[pl.ds(off, _SEG)], stage_b)

        def pack(j, c2):
          sl = pl.ds(j * 16, 16)
          a = jax.lax.bitcast_convert_type(stage_a[sl], jnp.int32)
          b = jax.lax.bitcast_convert_type(stage_b[sl], jnp.int32)
          stage_p[sl] = (((a + _HALF) >> 16) & _LO) | ((b + _HALF) & _HI)
          return c2

        lax.fori_loop(0, _SEG // 16, pack, 0, unroll=8)
        pltpu.sync_copy(stage_p, s_tab.at[pl.ds(off, _SEG)])

      return carry

    lax.fori_loop(0, stage_iters, stage_body, 0)
    plsc.subcore_barrier()

    wid = sid * _NC + cid
    base0 = wid * per_w

    def chunk_body(ci, carry):
      base = base0 + ci * _CHUNK
      pltpu.sync_copy(idx_hbm.at[pl.ds(base, _CHUNK)], idx_v)
      pltpu.async_copy(s_tab.at[idx_v], p_v, sem).wait()
      pltpu.sync_copy(p_v, out_hbm.at[pl.ds(base, _CHUNK)])
      return carry

    lax.fori_loop(0, chunks, chunk_body, 0)

  return run(idx, intercepts, slopes)


_COLS = 65536


def _tc_matvec(xT, w):
  p, n = xT.shape

  def body(w_ref, x_ref, o_ref):
    o_ref[...] = jax.lax.dot_general(
        w_ref[...], x_ref[...], (((1,), (0,)), ((), ())),
        preferred_element_type=jnp.float32)

  return pl.pallas_call(
      body,
      grid=(n // _COLS,),
      in_specs=[
          pl.BlockSpec((1, p), lambda i: (0, 0)),
          pl.BlockSpec((p, _COLS), lambda i: (0, i)),
      ],
      out_specs=pl.BlockSpec((1, _COLS), lambda i: (0, i)),
      out_shape=jax.ShapeDtypeStruct((1, n), jnp.float32),
  )(w.reshape(1, p), xT)


_CROWS = 2048


def _tc_combine(fe, pk, x):
  r, c = fe.shape

  def body(a_ref, p_ref, x_ref, o_ref):
    v = p_ref[...]
    ri = jax.lax.bitcast_convert_type(v << 16, jnp.float32)
    rs = jax.lax.bitcast_convert_type(v & _HI, jnp.float32)
    o_ref[...] = a_ref[...] + ri + x_ref[...] * rs

  return pl.pallas_call(
      body,
      grid=(r // _CROWS,),
      in_specs=[
          pl.BlockSpec((_CROWS, c), lambda i: (i, 0)),
          pl.BlockSpec((_CROWS, c), lambda i: (i, 0)),
          pl.BlockSpec((_CROWS, c), lambda i: (i, 0)),
      ],
      out_specs=pl.BlockSpec((_CROWS, c), lambda i: (i, 0)),
      out_shape=jax.ShapeDtypeStruct((r, c), jnp.float32),
  )(fe, pk, x)


def kernel(X_fixed, subject_indices, X_random_slope, fixed_effects,
           random_intercepts, random_slopes):
  n, _, p = X_fixed.shape
  xT = jnp.transpose(X_fixed, (2, 1, 0)).reshape(p, n)
  idx = subject_indices.reshape(n)
  pk = _sc_gather_packed(idx, random_intercepts, random_slopes)
  fe = _tc_matvec(xT, fixed_effects)
  out = _tc_combine(fe.reshape(n // 128, 128), pk.reshape(n // 128, 128),
                    X_random_slope.reshape(n // 128, 128))
  return out.reshape(n, 1)

# --- scband reference (transcript-rebuilt; emitter-appended) ---
"""Pipeline reference for scband-advanced-lmm-44495861186870 (READ-ONLY COPY).

The authoritative reference and input builder live on the scoring server;
editing this copy changes nothing except your own understanding.
"""

import jax, jax.numpy as jnp
import numpy as np

N = 1048576
P = 64
S = 1000000

def setup_inputs(seed: int = 0) -> dict:
    key = jax.random.key(seed)
    k1, k2, k3, k4, k5, k6 = jax.random.split(key, 6)
    X_fixed = jax.random.normal(k1, (N, 1, P), dtype=jnp.float32)
    subject_indices = jax.random.randint(k2, (N, 1), 0, S, dtype=jnp.int32)
    X_random_slope = jax.random.normal(k3, (N, 1), dtype=jnp.float32)
    fixed_effects = jax.random.normal(k4, (P,), dtype=jnp.float32)
    random_intercepts = jax.random.normal(k5, (S,), dtype=jnp.float32)
    random_slopes = jax.random.normal(k6, (S,), dtype=jnp.float32)
    return {
        'X_fixed': X_fixed,
        'subject_indices': subject_indices,
        'X_random_slope': X_random_slope,
        'fixed_effects': fixed_effects,
        'random_intercepts': random_intercepts,
        'random_slopes': random_slopes,
    }

def reference(X_fixed, subject_indices, X_random_slope, fixed_effects, random_intercepts, random_slopes):
    # fixed part: [N,1,P] @ [P] -> [N,1]
    fe = jnp.matmul(X_fixed, fixed_effects)
    # per-subject random intercepts: gather -> [N,1]
    ri = jnp.take(random_intercepts, subject_indices, axis=0)
    # per-subject random slopes: gather -> [N,1], elementwise with covariate
    rs = X_random_slope * jnp.take(random_slopes, subject_indices, axis=0)
    prediction = fe + ri + jnp.sum(rs, axis=1, keepdims=True)
    return prediction

if __name__ == "__main__":
    import jax
    _d = setup_inputs()
    print(jax.jit(kernel)(*tuple(_d.values())))

</pallas_src>

<mosaic_0001>
#map = affine_map<(d0, d1) -> (0)>
module attributes {stable_mosaic.version = 14 : i64} {
  func.func @run(%arg0: i32, %arg1: i32, %arg2: memref<1048576xi32, #tpu.memory_space<hbm>>, %arg3: memref<1000000xf32, #tpu.memory_space<hbm>>, %arg4: memref<1000000xf32, #tpu.memory_space<hbm>>, %arg5: memref<1048576xi32, #tpu.memory_space<hbm>>, %arg6: memref<1000000xi32, #tpu.memory_space<vmem_shared>>, %arg7: memref<20000xf32, #tpu.memory_space<vmem>>, %arg8: memref<20000xf32, #tpu.memory_space<vmem>>, %arg9: memref<20000xi32, #tpu.memory_space<vmem>>, %arg10: memref<2048xi32, #tpu.memory_space<vmem>>, %arg11: memref<2048xi32, #tpu.memory_space<vmem>>, %arg12: memref<!tpu.dma_semaphore, #tpu.memory_space<semaphore_mem>>) attributes {dimension_semantics = [#tpu.dimension_semantics<core_parallel>, #tpu.dimension_semantics<subcore_parallel>], iteration_bounds = array<i64: 2, 16>, scalar_prefetch = 0 : i64, scratch_operands = 7 : i64, tpu.core_type = #tpu.core_type<sc_vector_subcore>, window_params = [{transform_indices = #map}, {transform_indices = #map}, {transform_indices = #map}, {transform_indices = #map}]} {
    %scan3A = arith.constant 0 : i32
    %scan3A_0 = arith.constant 0 : i32
    %scan3A_1 = arith.constant 4 : i32
    %scan3A_2 = arith.addi %scan3A_0, %scan3A_1 : i32
    %scan3A_3 = arith.constant 1 : i32
    scf.for %scan3A_14 = %scan3A_0 to %scan3A_2 step %scan3A_3  : i32 {
      %mul3A_15 = arith.constant 16 : i32
      %mul3A_16 = arith.muli %scan3A_14, %mul3A_15 : i32
      %add3A_17 = arith.addi %mul3A_16, %arg1 : i32
      %lt3A = arith.constant 50 : i32
      %lt3A_18 = arith.cmpi slt, %add3A_17, %lt3A : i32
      %convert_element_type3A = arith.extui %lt3A_18 : i1 to i32
      %cond3A = arith.constant 0 : i32
      %cond3A_19 = arith.cmpi ne, %convert_element_type3A, %cond3A : i32
      scf.if %cond3A_19 {
        %mul3A_20 = arith.constant 20000 : i32
        %mul3A_21 = arith.muli %add3A_17, %mul3A_20 : i32
        "tpu.region"() ({
          %run_scoped3A = tpu.sem_alloc : memref<!tpu.dma_semaphore, #tpu.memory_space<semaphore_mem>>
          %dma_start3A = tpu.memref_slice %arg3[%mul3A_21] : memref<1000000xf32, #tpu.memory_space<hbm>> -> memref<20000xf32, #tpu.memory_space<hbm>>
          %dma_start3A_86 = tpu.memref_slice %arg3[%mul3A_21] : memref<1000000xf32, #tpu.memory_space<hbm>> -> memref<20000xf32, #tpu.memory_space<hbm>>
          tpu.enqueue_dma source(%dma_start3A_86 : memref<20000xf32, #tpu.memory_space<hbm>>) target(%arg7 : memref<20000xf32, #tpu.memory_space<vmem>>) target_semaphore(%run_scoped3A : memref<!tpu.dma_semaphore, #tpu.memory_space<semaphore_mem>>)
          %dma_wait3A = tpu.memref_slice %arg3[%mul3A_21] : memref<1000000xf32, #tpu.memory_space<hbm>> -> memref<20000xf32, #tpu.memory_space<hbm>>
          %dma_wait3A_87 = tpu.memref_slice %arg3[%mul3A_21] : memref<1000000xf32, #tpu.memory_space<hbm>> -> memref<20000xf32, #tpu.memory_space<hbm>>
          tpu.wait_dma2 semaphore(%run_scoped3A : memref<!tpu.dma_semaphore, #tpu.memory_space<semaphore_mem>>) src(%dma_wait3A_87 : memref<20000xf32, #tpu.memory_space<hbm>>) dst(%arg7 : memref<20000xf32, #tpu.memory_space<vmem>>)
          tpu.yield
        }) : () -> ()
        "tpu.region"() ({
          %run_scoped3A = tpu.sem_alloc : memref<!tpu.dma_semaphore, #tpu.memory_space<semaphore_mem>>
          %dma_start3A = tpu.memref_slice %arg4[%mul3A_21] : memref<1000000xf32, #tpu.memory_space<hbm>> -> memref<20000xf32, #tpu.memory_space<hbm>>
          %dma_start3A_86 = tpu.memref_slice %arg4[%mul3A_21] : memref<1000000xf32, #tpu.memory_space<hbm>> -> memref<20000xf32, #tpu.memory_space<hbm>>
          tpu.enqueue_dma source(%dma_start3A_86 : memref<20000xf32, #tpu.memory_space<hbm>>) target(%arg8 : memref<20000xf32, #tpu.memory_space<vmem>>) target_semaphore(%run_scoped3A : memref<!tpu.dma_semaphore, #tpu.memory_space<semaphore_mem>>)
          %dma_wait3A = tpu.memref_slice %arg4[%mul3A_21] : memref<1000000xf32, #tpu.memory_space<hbm>> -> memref<20000xf32, #tpu.memory_space<hbm>>
          %dma_wait3A_87 = tpu.memref_slice %arg4[%mul3A_21] : memref<1000000xf32, #tpu.memory_space<hbm>> -> memref<20000xf32, #tpu.memory_space<hbm>>
          tpu.wait_dma2 semaphore(%run_scoped3A : memref<!tpu.dma_semaphore, #tpu.memory_space<semaphore_mem>>) src(%dma_wait3A_87 : memref<20000xf32, #tpu.memory_space<hbm>>) dst(%arg8 : memref<20000xf32, #tpu.memory_space<vmem>>)
          tpu.yield
        }) : () -> ()
        %scan3A_22 = arith.constant 0 : i32
        %scan3A_23 = arith.constant 0 : i32
        %scan3A_24 = arith.constant 1248 : i32
        %scan3A_25 = arith.addi %scan3A_23, %scan3A_24 : i32
        %scan3A_26 = arith.constant 8 : i32
        scf.for %scan3A_86 = %scan3A_23 to %scan3A_25 step %scan3A_26  : i32 {
          %mul3A_87 = arith.constant 16 : i32
          %mul3A_88 = arith.muli %scan3A_86, %mul3A_87 : i32
          %get3A_89 = arith.index_cast %mul3A_88 : i32 to index
          %get3A_90 = tpu.vector_load %arg7[%get3A_89] {strides = array<i32>} : memref<20000xf32, #tpu.memory_space<vmem>>, vector<16xf32>,
          %get3A_91 = vector.shape_cast %get3A_90 : vector<16xf32> to vector<16xf32>
          %bitcast_convert_type3A_92 = tpu.bitcast %get3A_91 : vector<16xf32> -> vector<16xi32>
          %get3A_93 = arith.index_cast %mul3A_88 : i32 to index
          %get3A_94 = tpu.vector_load %arg8[%get3A_93] {strides = array<i32>} : memref<20000xf32, #tpu.memory_space<vmem>>, vector<16xf32>,
          %get3A_95 = vector.shape_cast %get3A_94 : vector<16xf32> to vector<16xf32>
          %bitcast_convert_type3A_96 = tpu.bitcast %get3A_95 : vector<16xf32> -> vector<16xi32>
          %add3A_97 = arith.constant 32768 : i32
          %add3A_98 = vector.broadcast %add3A_97 : i32 to vector<16xi32>
          %add3A_99 = arith.addi %bitcast_convert_type3A_92, %add3A_98 : vector<16xi32>
          %shift_right_arithmetic3A_100 = arith.constant 16 : i32
          %shift_right_arithmetic3A_101 = vector.broadcast %shift_right_arithmetic3A_100 : i32 to vector<16xi32>
          %shift_right_arithmetic3A_102 = arith.shrsi %add3A_99, %shift_right_arithmetic3A_101 : vector<16xi32>
          %and3A_103 = arith.constant 65535 : i32
          %and3A_104 = vector.broadcast %and3A_103 : i32 to vector<16xi32>
          %and3A_105 = arith.andi %shift_right_arithmetic3A_102, %and3A_104 : vector<16xi32>
          %add3A_106 = arith.constant 32768 : i32
          %add3A_107 = vector.broadcast %add3A_106 : i32 to vector<16xi32>
          %add3A_108 = arith.addi %bitcast_convert_type3A_96, %add3A_107 : vector<16xi32>
          %and3A_109 = arith.constant -65536 : i32
          %and3A_110 = vector.broadcast %and3A_109 : i32 to vector<16xi32>
          %and3A_111 = arith.andi %add3A_108, %and3A_110 : vector<16xi32>
          %or3A_112 = arith.ori %and3A_105, %and3A_111 : vector<16xi32>
          %swap3A_113 = arith.index_cast %mul3A_88 : i32 to index
          %swap3A_114 = tpu.vector_load %arg9[%swap3A_113] {strides = array<i32>} : memref<20000xi32, #tpu.memory_space<vmem>>, vector<16xi32>,
          %swap3A_115 = vector.shape_cast %swap3A_114 : vector<16xi32> to vector<16xi32>
          %swap3A_116 = vector.shape_cast %or3A_112 : vector<16xi32> to vector<16xi32>
          tpu.vector_store %arg9[%swap3A_113], %swap3A_116 {strides = array<i32>} : memref<20000xi32, #tpu.memory_space<vmem>>, vector<16xi32>,
          %scan3A_117 = arith.constant 1 : i32
          %scan3A_118 = arith.addi %scan3A_86, %scan3A_117 : i32
          %mul3A_119 = arith.constant 16 : i32
          %mul3A_120 = arith.muli %scan3A_118, %mul3A_119 : i32
          %get3A_121 = arith.index_cast %mul3A_120 : i32 to index
          %get3A_122 = tpu.vector_load %arg7[%get3A_121] {strides = array<i32>} : memref<20000xf32, #tpu.memory_space<vmem>>, vector<16xf32>,
          %get3A_123 = vector.shape_cast %get3A_122 : vector<16xf32> to vector<16xf32>
          %bitcast_convert_type3A_124 = tpu.bitcast %get3A_123 : vector<16xf32> -> vector<16xi32>
          %get3A_125 = arith.index_cast %mul3A_120 : i32 to index
          %get3A_126 = tpu.vector_load %arg8[%get3A_125] {strides = array<i32>} : memref<20000xf32, #tpu.memory_space<vmem>>, vector<16xf32>,
          %get3A_127 = vector.shape_cast %get3A_126 : vector<16xf32> to vector<16xf32>
          %bitcast_convert_type3A_128 = tpu.bitcast %get3A_127 : vector<16xf32> -> vector<16xi32>
          %add3A_129 = arith.constant 32768 : i32
          %add3A_130 = vector.broadcast %add3A_129 : i32 to vector<16xi32>
          %add3A_131 = arith.addi %bitcast_convert_type3A_124, %add3A_130 : vector<16xi32>
          %shift_right_arithmetic3A_132 = arith.constant 16 : i32
          %shift_right_arithmetic3A_133 = vector.broadcast %shift_right_arithmetic3A_132 : i32 to vector<16xi32>
          %shift_right_arithmetic3A_134 = arith.shrsi %add3A_131, %shift_right_arithmetic3A_133 : vector<16xi32>
          %and3A_135 = arith.constant 65535 : i32
          %and3A_136 = vector.broadcast %and3A_135 : i32 to vector<16xi32>
          %and3A_137 = arith.andi %shift_right_arithmetic3A_134, %and3A_136 : vector<16xi32>
          %add3A_138 = arith.constant 32768 : i32
          %add3A_139 = vector.broadcast %add3A_138 : i32 to vector<16xi32>
          %add3A_140 = arith.addi %bitcast_convert_type3A_128, %add3A_139 : vector<16xi32>
          %and3A_141 = arith.constant -65536 : i32
          %and3A_142 = vector.broadcast %and3A_141 : i32 to vector<16xi32>
          %and3A_143 = arith.andi %add3A_140, %and3A_142 : vector<16xi32>
          %or3A_144 = arith.ori %and3A_137, %and3A_143 : vector<16xi32>
          %swap3A_145 = arith.index_cast %mul3A_120 : i32 to index
          %swap3A_146 = tpu.vector_load %arg9[%swap3A_145] {strides = array<i32>} : memref<20000xi32, #tpu.memory_space<vmem>>, vector<16xi32>,
          %swap3A_147 = vector.shape_cast %swap3A_146 : vector<16xi32> to vector<16xi32>
          %swap3A_148 = vector.shape_cast %or3A_144 : vector<16xi32> to vector<16xi32>
          tpu.vector_store %arg9[%swap3A_145], %swap3A_148 {strides = array<i32>} : memref<20000xi32, #tpu.memory_space<vmem>>, vector<16xi32>,
          %scan3A_149 = arith.constant 2 : i32
          %scan3A_150 = arith.addi %scan3A_86, %scan3A_149 : i32
          %mul3A_151 = arith.constant 16 : i32
          %mul3A_152 = arith.muli %scan3A_150, %mul3A_151 : i32
          %get3A_153 = arith.index_cast %mul3A_152 : i32 to index
          %get3A_154 = tpu.vector_load %arg7[%get3A_153] {strides = array<i32>} : memref<20000xf32, #tpu.memory_space<vmem>>, vector<16xf32>,
          %get3A_155 = vector.shape_cast %get3A_154 : vector<16xf32> to vector<16xf32>
          %bitcast_convert_type3A_156 = tpu.bitcast %get3A_155 : vector<16xf32> -> vector<16xi32>
          %get3A_157 = arith.index_cast %mul3A_152 : i32 to index
          %get3A_158 = tpu.vector_load %arg8[%get3A_157] {strides = array<i32>} : memref<20000xf32, #tpu.memory_space<vmem>>, vector<16xf32>,
          %get3A_159 = vector.shape_cast %get3A_158 : vector<16xf32> to vector<16xf32>
          %bitcast_convert_type3A_160 = tpu.bitcast %get3A_159 : vector<16xf32> -> vector<16xi32>
          %add3A_161 = arith.constant 32768 : i32
          %add3A_162 = vector.broadcast %add3A_161 : i32 to vector<16xi32>
          %add3A_163 = arith.addi %bitcast_convert_type3A_156, %add3A_162 : vector<16xi32>
          %shift_right_arithmetic3A_164 = arith.constant 16 : i32
          %shift_right_arithmetic3A_165 = vector.broadcast %shift_right_arithmetic3A_164 : i32 to vector<16xi32>
          %shift_right_arithmetic3A_166 = arith.shrsi %add3A_163, %shift_right_arithmetic3A_165 : vector<16xi32>
          %and3A_167 = arith.constant 65535 : i32
          %and3A_168 = vector.broadcast %and3A_167 : i32 to vector<16xi32>
          %and3A_169 = arith.andi %shift_right_arithmetic3A_166, %and3A_168 : vector<16xi32>
          %add3A_170 = arith.constant 32768 : i32
          %add3A_171 = vector.broadcast %add3A_170 : i32 to vector<16xi32>
          %add3A_172 = arith.addi %bitcast_convert_type3A_160, %add3A_171 : vector<16xi32>
          %and3A_173 = arith.constant -65536 : i32
          %and3A_174 = vector.broadcast %and3A_173 : i32 to vector<16xi32>
          %and3A_175 = arith.andi %add3A_172, %and3A_174 : vector<16xi32>
          %or3A_176 = arith.ori %and3A_169, %and3A_175 : vector<16xi32>
          %swap3A_177 = arith.index_cast %mul3A_152 : i32 to index
          %swap3A_178 = tpu.vector_load %arg9[%swap3A_177] {strides = array<i32>} : memref<20000xi32, #tpu.memory_space<vmem>>, vector<16xi32>,
          %swap3A_179 = vector.shape_cast %swap3A_178 : vector<16xi32> to vector<16xi32>
          %swap3A_180 = vector.shape_cast %or3A_176 : vector<16xi32> to vector<16xi32>
          tpu.vector_store %arg9[%swap3A_177], %swap3A_180 {strides = array<i32>} : memref<20000xi32, #tpu.memory_space<vmem>>, vector<16xi32>,
          %scan3A_181 = arith.constant 3 : i32
          %scan3A_182 = arith.addi %scan3A_86, %scan3A_181 : i32
          %mul3A_183 = arith.constant 16 : i32
          %mul3A_184 = arith.muli %scan3A_182, %mul3A_183 : i32
          %get3A_185 = arith.index_cast %mul3A_184 : i32 to index
          %get3A_186 = tpu.vector_load %arg7[%get3A_185] {strides = array<i32>} : memref<20000xf32, #tpu.memory_space<vmem>>, vector<16xf32>,
          %get3A_187 = vector.shape_cast %get3A_186 : vector<16xf32> to vector<16xf32>
          %bitcast_convert_type3A_188 = tpu.bitcast %get3A_187 : vector<16xf32> -> vector<16xi32>
          %get3A_189 = arith.index_cast %mul3A_184 : i32 to index
          %get3A_190 = tpu.vector_load %arg8[%get3A_189] {strides = array<i32>} : memref<20000xf32, #tpu.memory_space<vmem>>, vector<16xf32>,
          %get3A_191 = vector.shape_cast %get3A_190 : vector<16xf32> to vector<16xf32>
          %bitcast_convert_type3A_192 = tpu.bitcast %get3A_191 : vector<16xf32> -> vector<16xi32>
          %add3A_193 = arith.constant 32768 : i32
          %add3A_194 = vector.broadcast %add3A_193 : i32 to vector<16xi32>
          %add3A_195 = arith.addi %bitcast_convert_type3A_188, %add3A_194 : vector<16xi32>
          %shift_right_arithmetic3A_196 = arith.constant 16 : i32
          %shift_right_arithmetic3A_197 = vector.broadcast %shift_right_arithmetic3A_196 : i32 to vector<16xi32>
          %shift_right_arithmetic3A_198 = arith.shrsi %add3A_195, %shift_right_arithmetic3A_197 : vector<16xi32>
          %and3A_199 = arith.constant 65535 : i32
          %and3A_200 = vector.broadcast %and3A_199 : i32 to vector<16xi32>
          %and3A_201 = arith.andi %shift_right_arithmetic3A_198, %and3A_200 : vector<16xi32>
          %add3A_202 = arith.constant 32768 : i32
          %add3A_203 = vector.broadcast %add3A_202 : i32 to vector<16xi32>
          %add3A_204 = arith.addi %bitcast_convert_type3A_192, %add3A_203 : vector<16xi32>
          %and3A_205 = arith.constant -65536 : i32
          %and3A_206 = vector.broadcast %and3A_205 : i32 to vector<16xi32>
          %and3A_207 = arith.andi %add3A_204, %and3A_206 : vector<16xi32>
          %or3A_208 = arith.ori %and3A_201, %and3A_207 : vector<16xi32>
          %swap3A_209 = arith.index_cast %mul3A_184 : i32 to index
          %swap3A_210 = tpu.vector_load %arg9[%swap3A_209] {strides = array<i32>} : memref<20000xi32, #tpu.memory_space<vmem>>, vector<16xi32>,
          %swap3A_211 = vector.shape_cast %swap3A_210 : vector<16xi32> to vector<16xi32>
          %swap3A_212 = vector.shape_cast %or3A_208 : vector<16xi32> to vector<16xi32>
          tpu.vector_store %arg9[%swap3A_209], %swap3A_212 {strides = array<i32>} : memref<20000xi32, #tpu.memory_space<vmem>>, vector<16xi32>,
          %scan3A_213 = arith.constant 4 : i32
          %scan3A_214 = arith.addi %scan3A_86, %scan3A_213 : i32
          %mul3A_215 = arith.constant 16 : i32
          %mul3A_216 = arith.muli %scan3A_214, %mul3A_215 : i32
          %get3A_217 = arith.index_cast %mul3A_216 : i32 to index
          %get3A_218 = tpu.vector_load %arg7[%get3A_217] {strides = array<i32>} : memref<20000xf32, #tpu.memory_space<vmem>>, vector<16xf32>,
          %get3A_219 = vector.shape_cast %get3A_218 : vector<16xf32> to vector<16xf32>
          %bitcast_convert_type3A_220 = tpu.bitcast %get3A_219 : vector<16xf32> -> vector<16xi32>
          %get3A_221 = arith.index_cast %mul3A_216 : i32 to index
          %get3A_222 = tpu.vector_load %arg8[%get3A_221] {strides = array<i32>} : memref<20000xf32, #tpu.memory_space<vmem>>, vector<16xf32>,
          %get3A_223 = vector.shape_cast %get3A_222 : vector<16xf32> to vector<16xf32>
          %bitcast_convert_type3A_224 = tpu.bitcast %get3A_223 : vector<16xf32> -> vector<16xi32>
          %add3A_225 = arith.constant 32768 : i32
          %add3A_226 = vector.broadcast %add3A_225 : i32 to vector<16xi32>
          %add3A_227 = arith.addi %bitcast_convert_type3A_220, %add3A_226 : vector<16xi32>
          %shift_right_arithmetic3A_228 = arith.constant 16 : i32
          %shift_right_arithmetic3A_229 = vector.broadcast %shift_right_arithmetic3A_228 : i32 to vector<16xi32>
          %shift_right_arithmetic3A_230 = arith.shrsi %add3A_227, %shift_right_arithmetic3A_229 : vector<16xi32>
          %and3A_231 = arith.constant 65535 : i32
          %and3A_232 = vector.broadcast %and3A_231 : i32 to vector<16xi32>
          %and3A_233 = arith.andi %shift_right_arithmetic3A_230, %and3A_232 : vector<16xi32>
          %add3A_234 = arith.constant 32768 : i32
          %add3A_235 = vector.broadcast %add3A_234 : i32 to vector<16xi32>
          %add3A_236 = arith.addi %bitcast_convert_type3A_224, %add3A_235 : vector<16xi32>
          %and3A_237 = arith.constant -65536 : i32
          %and3A_238 = vector.broadcast %and3A_237 : i32 to vector<16xi32>
          %and3A_239 = arith.andi %add3A_236, %and3A_238 : vector<16xi32>
          %or3A_240 = arith.ori %and3A_233, %and3A_239 : vector<16xi32>
          %swap3A_241 = arith.index_cast %mul3A_216 : i32 to index
          %swap3A_242 = tpu.vector_load %arg9[%swap3A_241] {strides = array<i32>} : memref<20000xi32, #tpu.memory_space<vmem>>, vector<16xi32>,
          %swap3A_243 = vector.shape_cast %swap3A_242 : vector<16xi32> to vector<16xi32>
          %swap3A_244 = vector.shape_cast %or3A_240 : vector<16xi32> to vector<16xi32>
          tpu.vector_store %arg9[%swap3A_241], %swap3A_244 {strides = array<i32>} : memref<20000xi32, #tpu.memory_space<vmem>>, vector<16xi32>,
          %scan3A_245 = arith.constant 5 : i32
          %scan3A_246 = arith.addi %scan3A_86, %scan3A_245 : i32
          %mul3A_247 = arith.constant 16 : i32
          %mul3A_248 = arith.muli %scan3A_246, %mul3A_247 : i32
          %get3A_249 = arith.index_cast %mul3A_248 : i32 to index
          %get3A_250 = tpu.vector_load %arg7[%get3A_249] {strides = array<i32>} : memref<20000xf32, #tpu.memory_space<vmem>>, vector<16xf32>,
          %get3A_251 = vector.shape_cast %get3A_250 : vector<16xf32> to vector<16xf32>
          %bitcast_convert_type3A_252 = tpu.bitcast %get3A_251 : vector<16xf32> -> vector<16xi32>
          %get3A_253 = arith.index_cast %mul3A_248 : i32 to index
          %get3A_254 = tpu.vector_load %arg8[%get3A_253] {strides = array<i32>} : memref<20000xf32, #tpu.memory_space<vmem>>, vector<16xf32>,
          %get3A_255 = vector.shape_cast %get3A_254 : vector<16xf32> to vector<16xf32>
          %bitcast_convert_type3A_256 = tpu.bitcast %get3A_255 : vector<16xf32> -> vector<16xi32>
          %add3A_257 = arith.constant 32768 : i32
          %add3A_258 = vector.broadcast %add3A_257 : i32 to vector<16xi32>
          %add3A_259 = arith.addi %bitcast_convert_type3A_252, %add3A_258 : vector<16xi32>
          %shift_right_arithmetic3A_260 = arith.constant 16 : i32
          %shift_right_arithmetic3A_261 = vector.broadcast %shift_right_arithmetic3A_260 : i32 to vector<16xi32>
          %shift_right_arithmetic3A_262 = arith.shrsi %add3A_259, %shift_right_arithmetic3A_261 : vector<16xi32>
          %and3A_263 = arith.constant 65535 : i32
          %and3A_264 = vector.broadcast %and3A_263 : i32 to vector<16xi32>
          %and3A_265 = arith.andi %shift_right_arithmetic3A_262, %and3A_264 : vector<16xi32>
          %add3A_266 = arith.constant 32768 : i32
          %add3A_267 = vector.broadcast %add3A_266 : i32 to vector<16xi32>
          %add3A_268 = arith.addi %bitcast_convert_type3A_256, %add3A_267 : vector<16xi32>
          %and3A_269 = arith.constant -65536 : i32
          %and3A_270 = vector.broadcast %and3A_269 : i32 to vector<16xi32>
          %and3A_271 = arith.andi %add3A_268, %and3A_270 : vector<16xi32>
          %or3A_272 = arith.ori %and3A_265, %and3A_271 : vector<16xi32>
          %swap3A_273 = arith.index_cast %mul3A_248 : i32 to index
          %swap3A_274 = tpu.vector_load %arg9[%swap3A_273] {strides = array<i32>} : memref<20000xi32, #tpu.memory_space<vmem>>, vector<16xi32>,
          %swap3A_275 = vector.shape_cast %swap3A_274 : vector<16xi32> to vector<16xi32>
          %swap3A_276 = vector.shape_cast %or3A_272 : vector<16xi32> to vector<16xi32>
          tpu.vector_store %arg9[%swap3A_273], %swap3A_276 {strides = array<i32>} : memref<20000xi32, #tpu.memory_space<vmem>>, vector<16xi32>,
          %scan3A_277 = arith.constant 6 : i32
          %scan3A_278 = arith.addi %scan3A_86, %scan3A_277 : i32
          %mul3A_279 = arith.constant 16 : i32
          %mul3A_280 = arith.muli %scan3A_278, %mul3A_279 : i32
          %get3A_281 = arith.index_cast %mul3A_280 : i32 to index
          %get3A_282 = tpu.vector_load %arg7[%get3A_281] {strides = array<i32>} : memref<20000xf32, #tpu.memory_space<vmem>>, vector<16xf32>,
          %get3A_283 = vector.shape_cast %get3A_282 : vector<16xf32> to vector<16xf32>
          %bitcast_convert_type3A_284 = tpu.bitcast %get3A_283 : vector<16xf32> -> vector<16xi32>
          %get3A_285 = arith.index_cast %mul3A_280 : i32 to index
          %get3A_286 = tpu.vector_load %arg8[%get3A_285] {strides = array<i32>} : memref<20000xf32, #tpu.memory_space<vmem>>, vector<16xf32>,
          %get3A_287 = vector.shape_cast %get3A_286 : vector<16xf32> to vector<16xf32>
          %bitcast_convert_type3A_288 = tpu.bitcast %get3A_287 : vector<16xf32> -> vector<16xi32>
          %add3A_289 = arith.constant 32768 : i32
          %add3A_290 = vector.broadcast %add3A_289 : i32 to vector<16xi32>
          %add3A_291 = arith.addi %bitcast_convert_type3A_284, %add3A_290 : vector<16xi32>
          %shift_right_arithmetic3A_292 = arith.constant 16 : i32
          %shift_right_arithmetic3A_293 = vector.broadcast %shift_right_arithmetic3A_292 : i32 to vector<16xi32>
          %shift_right_arithmetic3A_294 = arith.shrsi %add3A_291, %shift_right_arithmetic3A_293 : vector<16xi32>
          %and3A_295 = arith.constant 65535 : i32
          %and3A_296 = vector.broadcast %and3A_295 : i32 to vector<16xi32>
          %and3A_297 = arith.andi %shift_right_arithmetic3A_294, %and3A_296 : vector<16xi32>
          %add3A_298 = arith.constant 32768 : i32
          %add3A_299 = vector.broadcast %add3A_298 : i32 to vector<16xi32>
          %add3A_300 = arith.addi %bitcast_convert_type3A_288, %add3A_299 : vector<16xi32>
          %and3A_301 = arith.constant -65536 : i32
          %and3A_302 = vector.broadcast %and3A_301 : i32 to vector<16xi32>
          %and3A_303 = arith.andi %add3A_300, %and3A_302 : vector<16xi32>
          %or3A_304 = arith.ori %and3A_297, %and3A_303 : vector<16xi32>
          %swap3A_305 = arith.index_cast %mul3A_280 : i32 to index
          %swap3A_306 = tpu.vector_load %arg9[%swap3A_305] {strides = array<i32>} : memref<20000xi32, #tpu.memory_space<vmem>>, vector<16xi32>,
          %swap3A_307 = vector.shape_cast %swap3A_306 : vector<16xi32> to vector<16xi32>
          %swap3A_308 = vector.shape_cast %or3A_304 : vector<16xi32> to vector<16xi32>
          tpu.vector_store %arg9[%swap3A_305], %swap3A_308 {strides = array<i32>} : memref<20000xi32, #tpu.memory_space<vmem>>, vector<16xi32>,
          %scan3A_309 = arith.constant 7 : i32
          %scan3A_310 = arith.addi %scan3A_86, %scan3A_309 : i32
          %mul3A_311 = arith.constant 16 : i32
          %mul3A_312 = arith.muli %scan3A_310, %mul3A_311 : i32
          %get3A_313 = arith.index_cast %mul3A_312 : i32 to index
          %get3A_314 = tpu.vector_load %arg7[%get3A_313] {strides = array<i32>} : memref<20000xf32, #tpu.memory_space<vmem>>, vector<16xf32>,
          %get3A_315 = vector.shape_cast %get3A_314 : vector<16xf32> to vector<16xf32>
          %bitcast_convert_type3A_316 = tpu.bitcast %get3A_315 : vector<16xf32> -> vector<16xi32>
          %get3A_317 = arith.index_cast %mul3A_312 : i32 to index
          %get3A_318 = tpu.vector_load %arg8[%get3A_317] {strides = array<i32>} : memref<20000xf32, #tpu.memory_space<vmem>>, vector<16xf32>,
          %get3A_319 = vector.shape_cast %get3A_318 : vector<16xf32> to vector<16xf32>
          %bitcast_convert_type3A_320 = tpu.bitcast %get3A_319 : vector<16xf32> -> vector<16xi32>
          %add3A_321 = arith.constant 32768 : i32
          %add3A_322 = vector.broadcast %add3A_321 : i32 to vector<16xi32>
          %add3A_323 = arith.addi %bitcast_convert_type3A_316, %add3A_322 : vector<16xi32>
          %shift_right_arithmetic3A_324 = arith.constant 16 : i32
          %shift_right_arithmetic3A_325 = vector.broadcast %shift_right_arithmetic3A_324 : i32 to vector<16xi32>
          %shift_right_arithmetic3A_326 = arith.shrsi %add3A_323, %shift_right_arithmetic3A_325 : vector<16xi32>
          %and3A_327 = arith.constant 65535 : i32
          %and3A_328 = vector.broadcast %and3A_327 : i32 to vector<16xi32>
          %and3A_329 = arith.andi %shift_right_arithmetic3A_326, %and3A_328 : vector<16xi32>
          %add3A_330 = arith.constant 32768 : i32
          %add3A_331 = vector.broadcast %add3A_330 : i32 to vector<16xi32>
          %add3A_332 = arith.addi %bitcast_convert_type3A_320, %add3A_331 : vector<16xi32>
          %and3A_333 = arith.constant -65536 : i32
          %and3A_334 = vector.broadcast %and3A_333 : i32 to vector<16xi32>
          %and3A_335 = arith.andi %add3A_332, %and3A_334 : vector<16xi32>
          %or3A_336 = arith.ori %and3A_329, %and3A_335 : vector<16xi32>
          %swap3A_337 = arith.index_cast %mul3A_312 : i32 to index
          %swap3A_338 = tpu.vector_load %arg9[%swap3A_337] {strides = array<i32>} : memref<20000xi32, #tpu.memory_space<vmem>>, vector<16xi32>,
          %swap3A_339 = vector.shape_cast %swap3A_338 : vector<16xi32> to vector<16xi32>
          %swap3A_340 = vector.shape_cast %or3A_336 : vector<16xi32> to vector<16xi32>
          tpu.vector_store %arg9[%swap3A_337], %swap3A_340 {strides = array<i32>} : memref<20000xi32, #tpu.memory_space<vmem>>, vector<16xi32>,
        }
        %scan3A_27 = arith.constant 1248 : i32
        %scan3A_28 = arith.addi %scan3A_23, %scan3A_27 : i32
        %mul3A_29 = arith.constant 16 : i32
        %mul3A_30 = arith.muli %scan3A_28, %mul3A_29 : i32
        %get3A = arith.index_cast %mul3A_30 : i32 to index
        %get3A_31 = tpu.vector_load %arg7[%get3A] {strides = array<i32>} : memref<20000xf32, #tpu.memory_space<vmem>>, vector<16xf32>,
        %get3A_32 = vector.shape_cast %get3A_31 : vector<16xf32> to vector<16xf32>
        %bitcast_convert_type3A = tpu.bitcast %get3A_32 : vector<16xf32> -> vector<16xi32>
        %get3A_33 = arith.index_cast %mul3A_30 : i32 to index
        %get3A_34 = tpu.vector_load %arg8[%get3A_33] {strides = array<i32>} : memref<20000xf32, #tpu.memory_space<vmem>>, vector<16xf32>,
        %get3A_35 = vector.shape_cast %get3A_34 : vector<16xf32> to vector<16xf32>
        %bitcast_convert_type3A_36 = tpu.bitcast %get3A_35 : vector<16xf32> -> vector<16xi32>
        %add3A_37 = arith.constant 32768 : i32
        %add3A_38 = vector.broadcast %add3A_37 : i32 to vector<16xi32>
        %add3A_39 = arith.addi %bitcast_convert_type3A, %add3A_38 : vector<16xi32>
        %shift_right_arithmetic3A = arith.constant 16 : i32
        %shift_right_arithmetic3A_40 = vector.broadcast %shift_right_arithmetic3A : i32 to vector<16xi32>
        %shift_right_arithmetic3A_41 = arith.shrsi %add3A_39, %shift_right_arithmetic3A_40 : vector<16xi32>
        %and3A = arith.constant 65535 : i32
        %and3A_42 = vector.broadcast %and3A : i32 to vector<16xi32>
        %and3A_43 = arith.andi %shift_right_arithmetic3A_41, %and3A_42 : vector<16xi32>
        %add3A_44 = arith.constant 32768 : i32
        %add3A_45 = vector.broadcast %add3A_44 : i32 to vector<16xi32>
        %add3A_46 = arith.addi %bitcast_convert_type3A_36, %add3A_45 : vector<16xi32>
        %and3A_47 = arith.constant -65536 : i32
        %and3A_48 = vector.broadcast %and3A_47 : i32 to vector<16xi32>
        %and3A_49 = arith.andi %add3A_46, %and3A_48 : vector<16xi32>
        %or3A = arith.ori %and3A_43, %and3A_49 : vector<16xi32>
        %swap3A = arith.index_cast %mul3A_30 : i32 to index
        %swap3A_50 = tpu.vector_load %arg9[%swap3A] {strides = array<i32>} : memref<20000xi32, #tpu.memory_space<vmem>>, vector<16xi32>,
        %swap3A_51 = vector.shape_cast %swap3A_50 : vector<16xi32> to vector<16xi32>
        %swap3A_52 = vector.shape_cast %or3A : vector<16xi32> to vector<16xi32>
        tpu.vector_store %arg9[%swap3A], %swap3A_52 {strides = array<i32>} : memref<20000xi32, #tpu.memory_space<vmem>>, vector<16xi32>,
        %scan3A_53 = arith.constant 1249 : i32
        %scan3A_54 = arith.addi %scan3A_23, %scan3A_53 : i32
        %mul3A_55 = arith.constant 16 : i32
        %mul3A_56 = arith.muli %scan3A_54, %mul3A_55 : i32
        %get3A_57 = arith.index_cast %mul3A_56 : i32 to index
        %get3A_58 = tpu.vector_load %arg7[%get3A_57] {strides = array<i32>} : memref<20000xf32, #tpu.memory_space<vmem>>, vector<16xf32>,
        %get3A_59 = vector.shape_cast %get3A_58 : vector<16xf32> to vector<16xf32>
        %bitcast_convert_type3A_60 = tpu.bitcast %get3A_59 : vector<16xf32> -> vector<16xi32>
        %get3A_61 = arith.index_cast %mul3A_56 : i32 to index
        %get3A_62 = tpu.vector_load %arg8[%get3A_61] {strides = array<i32>} : memref<20000xf32, #tpu.memory_space<vmem>>, vector<16xf32>,
        %get3A_63 = vector.shape_cast %get3A_62 : vector<16xf32> to vector<16xf32>
        %bitcast_convert_type3A_64 = tpu.bitcast %get3A_63 : vector<16xf32> -> vector<16xi32>
        %add3A_65 = arith.constant 32768 : i32
        %add3A_66 = vector.broadcast %add3A_65 : i32 to vector<16xi32>
        %add3A_67 = arith.addi %bitcast_convert_type3A_60, %add3A_66 : vector<16xi32>
        %shift_right_arithmetic3A_68 = arith.constant 16 : i32
        %shift_right_arithmetic3A_69 = vector.broadcast %shift_right_arithmetic3A_68 : i32 to vector<16xi32>
        %shift_right_arithmetic3A_70 = arith.shrsi %add3A_67, %shift_right_arithmetic3A_69 : vector<16xi32>
        %and3A_71 = arith.constant 65535 : i32
        %and3A_72 = vector.broadcast %and3A_71 : i32 to vector<16xi32>
        %and3A_73 = arith.andi %shift_right_arithmetic3A_70, %and3A_72 : vector<16xi32>
        %add3A_74 = arith.constant 32768 : i32
        %add3A_75 = vector.broadcast %add3A_74 : i32 to vector<16xi32>
        %add3A_76 = arith.addi %bitcast_convert_type3A_64, %add3A_75 : vector<16xi32>
        %and3A_77 = arith.constant -65536 : i32
        %and3A_78 = vector.broadcast %and3A_77 : i32 to vector<16xi32>
        %and3A_79 = arith.andi %add3A_76, %and3A_78 : vector<16xi32>
        %or3A_80 = arith.ori %and3A_73, %and3A_79 : vector<16xi32>
        %swap3A_81 = arith.index_cast %mul3A_56 : i32 to index
        %swap3A_82 = tpu.vector_load %arg9[%swap3A_81] {strides = array<i32>} : memref<20000xi32, #tpu.memory_space<vmem>>, vector<16xi32>,
        %swap3A_83 = vector.shape_cast %swap3A_82 : vector<16xi32> to vector<16xi32>
        %swap3A_84 = vector.shape_cast %or3A_80 : vector<16xi32> to vector<16xi32>
        tpu.vector_store %arg9[%swap3A_81], %swap3A_84 {strides = array<i32>} : memref<20000xi32, #tpu.memory_space<vmem>>, vector<16xi32>,
        %scan3A_85 = arith.constant 1250 : i32
        "tpu.region"() ({
          %run_scoped3A = tpu.sem_alloc : memref<!tpu.dma_semaphore, #tpu.memory_space<semaphore_mem>>
          %dma_start3A = tpu.memref_slice %arg6[%mul3A_21] : memref<1000000xi32, #tpu.memory_space<vmem_shared>> -> memref<20000xi32, #tpu.memory_space<vmem_shared>>
          %dma_start3A_86 = tpu.memref_slice %arg6[%mul3A_21] : memref<1000000xi32, #tpu.memory_space<vmem_shared>> -> memref<20000xi32, #tpu.memory_space<vmem_shared>>
          tpu.enqueue_dma source(%arg9 : memref<20000xi32, #tpu.memory_space<vmem>>) target(%dma_start3A_86 : memref<20000xi32, #tpu.memory_space<vmem_shared>>) target_semaphore(%run_scoped3A : memref<!tpu.dma_semaphore, #tpu.memory_space<semaphore_mem>>)
          %dma_wait3A = tpu.memref_slice %arg6[%mul3A_21] : memref<1000000xi32, #tpu.memory_space<vmem_shared>> -> memref<20000xi32, #tpu.memory_space<vmem_shared>>
          %dma_wait3A_87 = tpu.memref_slice %arg6[%mul3A_21] : memref<1000000xi32, #tpu.memory_space<vmem_shared>> -> memref<20000xi32, #tpu.memory_space<vmem_shared>>
          tpu.wait_dma2 semaphore(%run_scoped3A : memref<!tpu.dma_semaphore, #tpu.memory_space<semaphore_mem>>) src(%arg9 : memref<20000xi32, #tpu.memory_space<vmem>>) dst(%dma_wait3A_87 : memref<20000xi32, #tpu.memory_space<vmem_shared>>)
          tpu.yield
        }) : () -> ()
      } else {
      }
    }
    %scan3A_4 = arith.constant 4 : i32
    %barrier3A = arith.constant 0 : index
    tpu.barrier barrier_id(%barrier3A)
    %mul3A = arith.constant 2 : i32
    %mul3A_5 = arith.muli %arg1, %mul3A : i32
    %add3A = arith.addi %mul3A_5, %arg0 : i32
    %mul3A_6 = arith.constant 32768 : i32
    %mul3A_7 = arith.muli %add3A, %mul3A_6 : i32
    %scan3A_8 = arith.constant 0 : i32
    %scan3A_9 = arith.constant 0 : i32
    %scan3A_10 = arith.constant 16 : i32
    %scan3A_11 = arith.addi %scan3A_9, %scan3A_10 : i32
    %scan3A_12 = arith.constant 1 : i32
    scf.for %scan3A_14 = %scan3A_9 to %scan3A_11 step %scan3A_12  : i32 {
      %mul3A_15 = arith.constant 2048 : i32
      %mul3A_16 = arith.muli %scan3A_14, %mul3A_15 : i32
      %add3A_17 = arith.addi %mul3A_7, %mul3A_16 : i32
      "tpu.region"() ({
        %run_scoped3A = tpu.sem_alloc : memref<!tpu.dma_semaphore, #tpu.memory_space<semaphore_mem>>
        %dma_start3A_20 = tpu.memref_slice %arg2[%add3A_17] : memref<1048576xi32, #tpu.memory_space<hbm>> -> memref<2048xi32, #tpu.memory_space<hbm>>
        %dma_start3A_21 = tpu.memref_slice %arg2[%add3A_17] : memref<1048576xi32, #tpu.memory_space<hbm>> -> memref<2048xi32, #tpu.memory_space<hbm>>
        tpu.enqueue_dma source(%dma_start3A_21 : memref<2048xi32, #tpu.memory_space<hbm>>) target(%arg10 : memref<2048xi32, #tpu.memory_space<vmem>>) target_semaphore(%run_scoped3A : memref<!tpu.dma_semaphore, #tpu.memory_space<semaphore_mem>>)
        %dma_wait3A_22 = tpu.memref_slice %arg2[%add3A_17] : memref<1048576xi32, #tpu.memory_space<hbm>> -> memref<2048xi32, #tpu.memory_space<hbm>>
        %dma_wait3A_23 = tpu.memref_slice %arg2[%add3A_17] : memref<1048576xi32, #tpu.memory_space<hbm>> -> memref<2048xi32, #tpu.memory_space<hbm>>
        tpu.wait_dma2 semaphore(%run_scoped3A : memref<!tpu.dma_semaphore, #tpu.memory_space<semaphore_mem>>) src(%dma_wait3A_23 : memref<2048xi32, #tpu.memory_space<hbm>>) dst(%arg10 : memref<2048xi32, #tpu.memory_space<vmem>>)
        tpu.yield
      }) : () -> ()
      %dma_start3A = arith.constant 0 : i32
      %dma_start3A_18 = tpu.memref_slice %arg6[%dma_start3A] : memref<1000000xi32, #tpu.memory_space<vmem_shared>> -> memref<1000000xi32, #tpu.memory_space<vmem_shared>>
      tpu.enqueue_indirect_dma source(%dma_start3A_18 : memref<1000000xi32, #tpu.memory_space<vmem_shared>>) target(%arg11 : memref<2048xi32, #tpu.memory_space<vmem>>) offsets(%arg10 : memref<2048xi32, #tpu.memory_space<vmem>>) semaphore(%arg12 : memref<!tpu.dma_semaphore, #tpu.memory_space<semaphore_mem>>)
      %dma_wait3A = arith.constant 0 : i32
      %dma_wait3A_19 = tpu.memref_slice %arg6[%dma_wait3A] : memref<1000000xi32, #tpu.memory_space<vmem_shared>> -> memref<1000000xi32, #tpu.memory_space<vmem_shared>>
      tpu.wait_indirect_dma semaphore(%arg12 : memref<!tpu.dma_semaphore, #tpu.memory_space<semaphore_mem>>) src(%dma_wait3A_19 : memref<1000000xi32, #tpu.memory_space<vmem_shared>>) dst(%arg11 : memref<2048xi32, #tpu.memory_space<vmem>>)
      "tpu.region"() ({
        %run_scoped3A = tpu.sem_alloc : memref<!tpu.dma_semaphore, #tpu.memory_space<semaphore_mem>>
        %dma_start3A_20 = tpu.memref_slice %arg5[%add3A_17] : memref<1048576xi32, #tpu.memory_space<hbm>> -> memref<2048xi32, #tpu.memory_space<hbm>>
        %dma_start3A_21 = tpu.memref_slice %arg5[%add3A_17] : memref<1048576xi32, #tpu.memory_space<hbm>> -> memref<2048xi32, #tpu.memory_space<hbm>>
        tpu.enqueue_dma source(%arg11 : memref<2048xi32, #tpu.memory_space<vmem>>) target(%dma_start3A_21 : memref<2048xi32, #tpu.memory_space<hbm>>) target_semaphore(%run_scoped3A : memref<!tpu.dma_semaphore, #tpu.memory_space<semaphore_mem>>)
        %dma_wait3A_22 = tpu.memref_slice %arg5[%add3A_17] : memref<1048576xi32, #tpu.memory_space<hbm>> -> memref<2048xi32, #tpu.memory_space<hbm>>
        %dma_wait3A_23 = tpu.memref_slice %arg5[%add3A_17] : memref<1048576xi32, #tpu.memory_space<hbm>> -> memref<2048xi32, #tpu.memory_space<hbm>>
        tpu.wait_dma2 semaphore(%run_scoped3A : memref<!tpu.dma_semaphore, #tpu.memory_space<semaphore_mem>>) src(%arg11 : memref<2048xi32, #tpu.memory_space<vmem>>) dst(%dma_wait3A_23 : memref<2048xi32, #tpu.memory_space<hbm>>)
        tpu.yield
      }) : () -> ()
    }
    %scan3A_13 = arith.constant 16 : i32
    return
  }
}

module attributes {stable_mosaic.version = 14 : i64} {
  func.func @body(%arg0: i32, %arg1: memref<1x64xf32, #tpu.memory_space<vmem>>, %arg2: memref<64x65536xf32, #tpu.memory_space<vmem>>, %arg3: memref<1x65536xf32, #tpu.memory_space<vmem>>) attributes {dimension_semantics = [#tpu.dimension_semantics<arbitrary>], iteration_bounds = array<i64: 16>, scalar_prefetch = 0 : i64, scratch_operands = 0 : i64, tpu.core_type = #tpu.core_type<tc>, window_params = [{pipeline_mode = #tpu.pipeline_mode<synchronous>, transform_indices = @transform_0, window_bounds = array<i64: 1, 64>}, {transform_indices = @transform_1, window_bounds = array<i64: 64, 65536>}, {transform_indices = @transform_2, window_bounds = array<i64: 1, 65536>}]} {
    %get3A = arith.constant 0 : index
    %get3A_0 = arith.constant 0 : index
    %get3A_1 = vector.load %arg1[%get3A, %get3A_0] : memref<1x64xf32, #tpu.memory_space<vmem>>, vector<1x64xf32>
    %get3A_2 = arith.constant 0 : index
    %get3A_3 = arith.constant 0 : index
    %get3A_4 = vector.load %arg2[%get3A_2, %get3A_3] : memref<64x65536xf32, #tpu.memory_space<vmem>>, vector<64x65536xf32>
    %dot_general3A = arith.constant dense<0.000000e+00> : vector<1x65536xf32>
    %dot_general3A_5 = tpu.matmul %get3A_1, %get3A_4, %dot_general3A {dimension_numbers = #tpu.dot_dimension_numbers<[1], [0], [0], [1], [0, 0, 1, 1], [], []>, transpose_lhs_hint = false} : vector<1x64xf32>, vector<64x65536xf32>, vector<1x65536xf32> -> vector<1x65536xf32>
    %swap3A = arith.constant 0 : index
    %swap3A_6 = arith.constant 0 : index
    %swap3A_7 = vector.load %arg3[%swap3A, %swap3A_6] : memref<1x65536xf32, #tpu.memory_space<vmem>>, vector<1x65536xf32>
    tpu.vector_store %arg3[%swap3A, %swap3A_6], %dot_general3A_5 {strides = array<i32>} : memref<1x65536xf32, #tpu.memory_space<vmem>>, vector<1x65536xf32>,
    return
  }
  func.func @transform_0(%arg0: i32) -> (i32, i32) {
    %c0_i32 = arith.constant 0 : i32
    %c0_i32_0 = arith.constant 0 : i32
    %c0_i32_1 = arith.constant 0 : i32
    return %c0_i32, %c0_i32_0 : i32, i32
  }
  func.func @transform_1(%arg0: i32) -> (i32, i32) {
    %c0_i32 = arith.constant 0 : i32
    %c0_i32_0 = arith.constant 0 : i32
    return %c0_i32, %arg0 : i32, i32
  }
  func.func @transform_2(%arg0: i32) -> (i32, i32) {
    %c0_i32 = arith.constant 0 : i32
    %c0_i32_0 = arith.constant 0 : i32
    return %c0_i32, %arg0 : i32, i32
  }
}

module attributes {stable_mosaic.version = 14 : i64} {
  func.func @body(%arg0: i32, %arg1: memref<2048x128xf32, #tpu.memory_space<vmem>>, %arg2: memref<2048x128xi32, #tpu.memory_space<vmem>>, %arg3: memref<2048x128xf32, #tpu.memory_space<vmem>>, %arg4: memref<2048x128xf32, #tpu.memory_space<vmem>>) attributes {dimension_semantics = [#tpu.dimension_semantics<arbitrary>], iteration_bounds = array<i64: 4>, scalar_prefetch = 0 : i64, scratch_operands = 0 : i64, tpu.core_type = #tpu.core_type<tc>, window_params = [{transform_indices = @transform_0, window_bounds = array<i64: 2048, 128>}, {transform_indices = @transform_1, window_bounds = array<i64: 2048, 128>}, {transform_indices = @transform_2, window_bounds = array<i64: 2048, 128>}, {transform_indices = @transform_3, window_bounds = array<i64: 2048, 128>}]} {
    %get3A = arith.constant 0 : index
    %get3A_0 = arith.constant 0 : index
    %get3A_1 = vector.load %arg2[%get3A, %get3A_0] : memref<2048x128xi32, #tpu.memory_space<vmem>>, vector<2048x128xi32>
    %shift_left3A = arith.constant 16 : i32
    %shift_left3A_2 = vector.broadcast %shift_left3A : i32 to vector<2048x128xi32>
    %shift_left3A_3 = arith.shli %get3A_1, %shift_left3A_2 : vector<2048x128xi32>
    %bitcast_convert_type3A = tpu.bitcast %shift_left3A_3 : vector<2048x128xi32> -> vector<2048x128xf32>
    %and3A = arith.constant -65536 : i32
    %and3A_4 = vector.broadcast %and3A : i32 to vector<2048x128xi32>
    %and3A_5 = arith.andi %get3A_1, %and3A_4 : vector<2048x128xi32>
    %bitcast_convert_type3A_6 = tpu.bitcast %and3A_5 : vector<2048x128xi32> -> vector<2048x128xf32>
    %get3A_7 = arith.constant 0 : index
    %get3A_8 = arith.constant 0 : index
    %get3A_9 = vector.load %arg1[%get3A_7, %get3A_8] : memref<2048x128xf32, #tpu.memory_space<vmem>>, vector<2048x128xf32>
    %add3A = arith.addf %get3A_9, %bitcast_convert_type3A : vector<2048x128xf32>
    %get3A_10 = arith.constant 0 : index
    %get3A_11 = arith.constant 0 : index
    %get3A_12 = vector.load %arg3[%get3A_10, %get3A_11] : memref<2048x128xf32, #tpu.memory_space<vmem>>, vector<2048x128xf32>
    %mul3A = arith.mulf %get3A_12, %bitcast_convert_type3A_6 : vector<2048x128xf32>
    %add3A_13 = arith.addf %add3A, %mul3A : vector<2048x128xf32>
    %swap3A = arith.constant 0 : index
    %swap3A_14 = arith.constant 0 : index
    %swap3A_15 = vector.load %arg4[%swap3A, %swap3A_14] : memref<2048x128xf32, #tpu.memory_space<vmem>>, vector<2048x128xf32>
    tpu.vector_store %arg4[%swap3A, %swap3A_14], %add3A_13 {strides = array<i32>} : memref<2048x128xf32, #tpu.memory_space<vmem>>, vector<2048x128xf32>,
    return
  }
  func.func @transform_0(%arg0: i32) -> (i32, i32) {
    %c0_i32 = arith.constant 0 : i32
    %c0_i32_0 = arith.constant 0 : i32
    return %arg0, %c0_i32 : i32, i32
  }
  func.func @transform_1(%arg0: i32) -> (i32, i32) {
    %c0_i32 = arith.constant 0 : i32
    %c0_i32_0 = arith.constant 0 : i32
    return %arg0, %c0_i32 : i32, i32
  }
  func.func @transform_2(%arg0: i32) -> (i32, i32) {
    %c0_i32 = arith.constant 0 : i32
    %c0_i32_0 = arith.constant 0 : i32
    return %arg0, %c0_i32 : i32, i32
  }
  func.func @transform_3(%arg0: i32) -> (i32, i32) {
    %c0_i32 = arith.constant 0 : i32
    %c0_i32_0 = arith.constant 0 : i32
    return %arg0, %c0_i32 : i32, i32
  }
}

</mosaic_0001>

<sc_bundles>
// kernel: kernel.5.cloned.1.call-start
scs
__scs_entry_jumppad:
0x0: {  	(pc) =	sbr.rel $0x88, $3  }
0x1: {  	(tag) =	ssettag $0x0;
	lr =	simm.s32 $0x1  }
0x2: {  	[smem:$0x3F9B] =	sst lr;
	_ =	strace $0xD0000000  }
0x3: {  	_ = 	snop  }
0x4: {  	_ = 	snop  }
0x5: {  	_ = 	snop  }
0x6: {  	_ = 	snop  }
0x7: {  	_ = 	snop  }
__scs_overlays_trampoline_lowered:
0x8: {  	[smem:$0x3FAA] =	sst s0  }
0x9: {  	[smem:$0x3FAB] =	sst s1  }
0xa: {  	[smem:$0x3FAC] =	sst s2  }
0xb: {  	[smem:$0x3FAD] =	sst s3  }
0xc: {  	[smem:$0x3FAE] =	sst s4  }
0xd: {  	[smem:$0x3FAF] =	sst s5  }
0xe: {  	[smem:$0x3FB0] =	sst s6  }
0xf: {  	[smem:$0x3FB1] =	sst s7  }
0x10: {  	[smem:$0x3FB2] =	sst s8  }
0x11: {  	[smem:$0x3FB3] =	sst s9;
	s0 =	simm.s32 @!p0 $0x0  }
0x12: {  	s1 =	sld [smem:$0x3F99];
	s0 =	simm.s32 @p0 $0x1  }
0x13: {  	[smem:$0x3FB4] =	sst s0;
	s0 =	simm.s32 @!p1 $0x0  }
0x14: {  	s2 =	sld [smem:$0x3F98];
	s0 =	simm.s32 @p1 $0x1  }
0x15: {  	[smem:$0x3FB5] =	sst s0;
	s0 =	simm.s32 @!p2 $0x0  }
0x16: {  	s3 =	sld [smem:$0x3FDB];
	s0 =	simm.s32 @p2 $0x1  }
0x17: {  	s4 =	simm.s32 $0x1BF5;
	[smem:$0x3FB7] =	sst s0  }
0x18: {  	s0 =	sld [smem:$0x3F9A];
	_ =	swait.ge [sflag:s4], $0x0  }
0x19: {  	s7 =	sld [smem:$0x3F9B]  }
0x1a: {  	s8 =	sadd.s32 $0xFFFFE003, lr  }
0x1b: {  	s9 =	sadd.s32 $0xFFFFFEF7, lr;
	s5 =	simm.s32 $0xFFFFFFFF;
	p2 =	slt.u32 s8, $0xFFFFF086  }
0x1c: {  	p1 =	slt.u32 s9, $0xF7A;
	s5 =	simm.s32 @!p2 $0x0  }
0x1d: {  	s5 =	simm.s32 @p1 $0x1;
	p0 =	seq.s32 s7, s2  }
0x1e: {  	s7 =	smul.u32 @!p0 $0xF7A, s2;
	p2 =	seq.s32 @!p0 s5, $0x0  }
0x1f: {  	s9 =	smul.u32 $0xF7A, s1;
	s8 =	simm.s32 @!p0 $0x1BF5;
	p2 =	por !p2, p0  }
0x20: {  	[sflag:s8] =	ssyncset.s32 @!p0 $0xFFFFF086;
	s6 =	sadd.s32 @!p0 s3, s7;
	s7 =	simm.s32 @!p0 $0x108  }
0x21: {  	s3 =	sadd.s32 s3, s9;
	s6 =	sadd.s32 @!p0 $0x88, s6;
	s7 =	simm.s32 @p2 $0x1082  }
0x22: {  	[simem:s7], [sflag:s8] =	dma.local @!p0 [hbm:s6], $0xF7A  }
0x23: {  	s9 =	sor.u32 $0xD0000000, s2;
	s6 =	simm.s32 $0x108;
	_ =	swait.ge @!p0 [sflag:s8], $0x0  }
0x24: {  	s3 =	sadd.s32 $0x88, s3;
	s6 =	simm.s32 @!p1 $0x1082;
	[sflag:s4] =	ssyncset.s32 $0xFFFFF086  }
0x25: {  	[simem:s6], [sflag:s4] =	dma.local [hbm:s3], $0xF7A  }
0x26: {  	[smem:$0x3F9B] =	sst s1;
	(tag) =	ssettag s2;
	_ =	strace s9  }
0x27: {  	s1 =	sld [smem:$0x3FAB]  }
0x28: {  	s2 =	sld [smem:$0x3FAC]  }
0x29: {  	s4 =	sld [smem:$0x3FAE]  }
0x2a: {  	p0 =	seq.s32 s5, $0x0;
	s5 =	sld [smem:$0x3FAF]  }
0x2b: {  	s6 =	sld [smem:$0x3FB0]  }
0x2c: {  	s7 =	sld [smem:$0x3FB1]  }
0x2d: {  	s3 =	simm.s32 $0x108;
	s8 =	sld [smem:$0x3FB2]  }
0x2e: {  	s3 =	simm.s32 @!p0 $0x1082;
	s9 =	sld [smem:$0x3FB3]  }
0x2f: {  	lr =	sadd.s32 s0, s3;
	s0 =	sld [smem:$0x3FAA]  }
0x30: {  	s3 =	sld [smem:$0x3FAD]  }
0x31: {  	[smem:$0x3FB6] =	sst s10  }
0x32: {  	s10 =	sld [smem:$0x3FB4];
	_ =	sdelay $0x3  }
0x33: {  	p0 =	seq.s32 s10, $0x1;
	s10 =	sld [smem:$0x3FB6];
	_ =	sdelay $0x3  }
0x34: {  	[smem:$0x3FB6] =	sst s10  }
0x35: {  	s10 =	sld [smem:$0x3FB5];
	_ =	sdelay $0x3  }
0x36: {  	p1 =	seq.s32 s10, $0x1;
	s10 =	sld [smem:$0x3FB6];
	_ =	sdelay $0x3  }
0x37: {  	[smem:$0x3FB6] =	sst s10  }
0x38: {  	s10 =	sld [smem:$0x3FB7]  }
0x39: {  	_ = 	snop;
	(pc) =	sbr.ind lr, $3  }
0x3a: {  	_ = 	snop  }
0x3b: {  	_ = 	snop  }
0x3c: {  	p2 =	seq.s32 s10, $0x1;
	s10 =	sld [smem:$0x3FB6]  }
0x3d: {  	_ =	shalt  }
0x3e: {  	_ =	shalt  }
0x3f: {  	_ =	shalt  }
0x40: {  	_ =	shalt  }
0x41: {  	_ =	shalt  }
0x42: {  	_ =	shalt  }
0x43: {  	_ =	shalt  }
0x44: {  	_ =	shalt  }
0x45: {  	_ =	shalt  }
0x46: {  	_ =	shalt  }
0x47: {  	_ =	shalt  }
0x48: {  	_ =	shalt  }
0x49: {  	_ =	shalt  }
0x4a: {  	_ =	shalt  }
0x4b: {  	_ =	shalt  }
0x4c: {  	_ =	shalt  }
0x4d: {  	_ =	shalt  }
0x4e: {  	_ =	shalt  }
0x4f: {  	_ =	shalt  }
0x50: {  	_ =	shalt  }
0x51: {  	_ =	shalt  }
0x52: {  	_ =	shalt  }
0x53: {  	_ =	shalt  }
0x54: {  	_ =	shalt  }
0x55: {  	_ =	shalt  }
0x56: {  	_ =	shalt  }
0x57: {  	_ =	shalt  }
0x58: {  	_ =	shalt  }
0x59: {  	_ =	shalt  }
0x5a: {  	_ =	shalt  }
0x5b: {  	_ =	shalt  }
0x5c: {  	_ =	shalt  }
0x5d: {  	_ =	shalt  }
0x5e: {  	_ =	shalt  }
0x5f: {  	_ =	shalt  }
0x60: {  	_ =	shalt  }
0x61: {  	_ =	shalt  }
0x62: {  	_ =	shalt  }
0x63: {  	_ =	shalt  }
0x64: {  	_ =	shalt  }
0x65: {  	_ =	shalt  }
0x66: {  	_ =	shalt  }
0x67: {  	_ =	shalt  }
0x68: {  	_ =	shalt  }
0x69: {  	_ =	shalt  }
0x6a: {  	_ =	shalt  }
0x6b: {  	_ =	shalt  }
0x6c: {  	_ =	shalt  }
0x6d: {  	_ =	shalt  }
0x6e: {  	_ =	shalt  }
0x6f: {  	_ =	shalt  }
0x70: {  	_ =	shalt  }
0x71: {  	_ =	shalt  }
0x72: {  	_ =	shalt  }
0x73: {  	_ =	shalt  }
0x74: {  	_ =	shalt  }
0x75: {  	_ =	shalt  }
0x76: {  	_ =	shalt  }
0x77: {  	_ =	shalt  }
0x78: {  	_ =	shalt  }
0x79: {  	_ =	shalt  }
0x7a: {  	_ =	shalt  }
0x7b: {  	_ =	shalt  }
0x7c: {  	_ =	shalt  }
0x7d: {  	_ =	shalt  }
0x7e: {  	_ =	shalt  }
0x7f: {  	_ =	shalt  }
0x80: {  	_ =	shalt  }
0x81: {  	_ =	shalt  }
0x82: {  	_ =	shalt  }
0x83: {  	_ =	shalt  }
0x84: {  	_ =	shalt  }
0x85: {  	_ =	shalt  }
0x86: {  	_ =	shalt  }
0x87: {  	_ =	shalt  }
.Lfunc_end0:
.L_simem_size_0:
called_computation_lowered:
.L_overlay_start_0:
0x88: {  	s2 =	sld [smem:$0x3FD9]  }
0x89: {  	s3 =	sld [smem:$0x3FFE];
	_ =	sdelay $0x1  }
0x8a: {  	s1 =	srdreg.scid  }
0x8b: {  	s0 =	sand.u32 $0x1, s1  }
0x8c: {  	s18 =	sshll.u32 s0, $0xA;
	s2 =	sadd.s32 s3, s2  }
0x8d: {  	s2 =	sadd.s32 s2, s18  }
0x8e: {  	[smem:$0x3FC2] =	sst s2  }
0x8f: {  	_ = 	snop  }
0x90: {  	s2 =	sld [smem:$0x3FC8]  }
0x91: {  	s19 =	sld [smem:$0x3FC5]  }
0x92: {  	s4 =	sld [smem:$0x3FC4]  }
0x93: {  	s5 =	sld [smem:$0x3FD0];
	(tm) =	ssettm $0x1  }
0x94: {  	s6 =	sld [smem:$0x3FFB];
	_ =	sdelay $0x3  }
0x95: {  	_ =	strace s6  }
0x96: {  	s6 =	sld [smem:$0x3FFC];
	_ =	sdelay $0x3  }
0x97: {  	_ =	strace s6  }
0x98: {  	s6 =	sld [smem:$0x3FFD];
	_ =	sdelay $0x3  }
0x99: {  	_ =	strace s6  }
0x9a: {  	_ =	strace $0x8FFFFFFF  }
0x9b: {  	s20 =	sld [smem:$0x3FDB];
	_ =	sdelay $0x1  }
0x9c: {  	s7 =	simm.s32 $_scs_section_size  }
0x9d: {  	s8 =	simm.s32 $_size__tile_overlayer_lowered;
	s9 =	simm.s32 $_tile_overlayer_lowered  }
0x9e: {  	s23 =	simm.s32 $0x1BFF;
	s22 =	sshll.u32 s9, $0x1;
	s6 =	sadd.s32 s7, s20  }
0x9f: {  	s10 =	simm.s32 $0x0;
	s21 =	sshll.u32 s8, $0x1;
	s8 =	sadd.s32 s22, s6  }
0xa0: {  	[timem:s10], [sflag:s23] =	dma.local [hbm:s8], s21  }
0xa1: {  	_ =	swait.ge [sflag:s23], s21  }
0xa2: {  	s7 =	ssub.s32 $0x0, s21;
	[sflag:s23] =	ssyncset.done $0x0  }
0xa3: {  	[sflag:s23] =	ssyncadd.s32 s7;
	_ =	sdelay $0x1  }
0xa4: {  	s24 =	simm.s32 $0x1B8B  }
0xa5: {  	_ =	swait.ge [sflag:s24], $0x1  }
0xa6: {  	[sflag:s24] =	ssyncset.done $0x0  }
0xa7: {  	s25 =	simm.s32 $0x1B8E;
	[sflag:s24] =	ssyncadd.s32 $0xFFFFFFFF  }
0xa8: {  	s26 =	simm.s32 $execute0_lowered;
	[smem:$0x3FD2] =	sst s25  }
0xa9: {  	s7 =	sshll.u32 s26, $0x1;
	_ =	strace $0x80000046;
	[dreg:$0x1] =	wrdreg $0xFFFFFFFF  }
0xaa: {  	s28 =	simm.s32 $_size_execute0_lowered;
	s6 =	sadd.s32 s6, s7;
	[dreg:$0x0] =	wrdreg $0x0  }
0xab: {  	s7 =	sshll.u32 s28, $0x1;
	[dreg:$0x2] =	wrdreg s6  }
0xac: {  	[dreg:$0x3] =	wrdreg s7  }
0xad: {  	[dreg:$0x4] =	wrdreg $0xC0  }
0xae: {  	_ =	task [dreg:s10], $0x5FFFF  }
0xaf: {  	[dreg:$0x1] =	wrdreg $0xFFFFFFFF  }
0xb0: {  	[dreg:$0x0] =	wrdreg $0x60  }
0xb1: {  	[dreg:$0x2] =	wrdreg s2  }
0xb2: {  	[dreg:$0x3] =	wrdreg s19  }
0xb3: {  	[dreg:$0x4] =	wrdreg s4  }
0xb4: {  	[dreg:$0x5] =	wrdreg s5  }
0xb5: {  	[dreg:$0x6] =	wrdreg $0x0  }
0xb6: {  	[dreg:$0x7] =	wrdreg $0x9  }
0xb7: {  	_ =	task.clear_ibuf [dreg:s10], $0x8FFFF;
	_ =	strace $0x90000046  }
0xb8: {  	s29 =	simm.s32 $0x9;
	_ =	strace $0x80000048  }
0xb9: {  	_ =	swait.ge [sflag:s29], $0x1  }
0xba: {  	[sflag:s29] =	ssyncadd.s32 $0xFFFFFFFF  }
0xbb: {  	_ =	strace $0x90000048  }
0xbc: {  	_ =	sfence  }
0xbd: {  	s30 =	sld [smem:$0x0];
	_ =	sdelay $0x2  }
0xbe: {  	s31 =	sshll.u32 s1, $0xD;
	s1 =	sshrl.u32 s1, $0x2  }
0xbf: {  	s3 =	sand.u32 $0x4000, s31;
	s1 =	sadd.s32 s1, s30  }
0xc0: {  	s0 =	sor.u32 s3, s0;
	s1 =	sshll.u32 s1, $0x11  }
0xc1: {  	s0 =	sor.u32 s1, s0  }
0xc2: {  	s0 =	sadd.s32 $0x8F2B, s0  }
0xc3: {  	[sflag:s0] =	ssyncadd.remote.s32 $0x1  }
0xc4: {  	_ =	sfence.sel $0xFFFF  }
0xc5: {  	[dreg:$0x0] =	wrdreg $0xFFFFFFFF;
	(pc) =	sbr.abs _section_cstart, $3  }
0xc6: {  	[dreg:$0x1] =	wrdreg $0xFFFFFFFF  }
0xc7: {  	_ =	task.clear_ibuf [dreg:s10], $0x2FFFF;
	_ =	strace $0x9FFFFFFF  }
0xc8: {  	(tm) =	ssettm $0x7FFFFFFF  }
0xc9: {  	_ =	shalt  }
tec
execute0_lowered:
.L_overlay_start_1:
0x0: {  	(tag) =	ssettag $0x1  }
0x1: {  	s7 =	rddreg [dreg:$0x0]  }
0x2: {  	s1 =	rddreg [dreg:$0x1]  }
0x3: {  	s2 =	rddreg [dreg:$0x2]  }
0x4: {  	s8 =	rddreg [dreg:$0x3]  }
0x5: {  	s3 =	rddreg [dreg:$0x4]  }
0x6: {  	s5 =	srdreg.scid;
	s0 =	rddreg [dreg:$0x5];
	s4 =	simm.s32 $0x0  }
0x7: {  	s12 =	simm.s32 $0x19128;
	s13 =	simm.s32 $0x2;
	s14 =	simm.s32 $0x1DFA8  }
0x8: {  	s15 =	simm.s32 $0x800;
	s16 =	simm.s32 $0x1E7A8;
	s17 =	simm.s32 $0x1  }
0x9: {  	s18 =	simm.s32 $0x0;
	s6 =	sand.u32 $0x1, s5;
	[smem:$0x7FF] =	sst s4  }
0xa: {  	s5 =	stileid.u32;
	s9 =	ssub.s32 $0x2, s6;
	_ =	strace $0x80000047  }
0xb: {  	s30 =	sshll.u32 s5, $0xD;
	s11 =	sshll.u32 s6, $0xC;
	s10 =	sshrl.u32 s9, $0x1  }
0xc: {  	s8 =	sadd.s32 s30, s8;
	s31 =	sadd.s32 s30, s7;
	s9 =	ssub.s32 s9, s10  }
0xd: {  	s7 =	sadd.s32 s11, s8;
	s8 =	sadd.s32 s11, s31;
	s10 =	simm.s32 $0x3  }
0xe: {  	s11 =	simm.s32 $0x142A8;
	s6 =	smax.u32 s9, $0x1;
	s9 =	simm.s32 $0xF428  }
.LBB2_1:
.Ltmp0:
0xf: {  	(pc) =	sbr.rel .LBB2_2-.Ltmp0, $2  }
0x10: {  	_ =	sdelay $0x2  }
0x11: {  	s19 =	simm.s32 $0x0  }
.LBB2_6:
0x12: {  	s19 =	sadd.s32 $0x1, s19  }
0x13: {  	p0 =	sne.s32 s19, $0x4  }
.Ltmp1:
0x14: {  	_ = 	snop;
	(pc) =	sbr.rel @!p0 .LBB2_7-.Ltmp1, $1  }
0x15: {  	_ =	sdelay $0x3  }
.LBB2_2:
0x16: {  	s20 =	sshll.u32 s19, $0x4  }
0x17: {  	s20 =	sor.u32 s5, s20  }
0x18: {  	p0 =	sgt.u32 s20, $0x31  }
.Ltmp2:
0x19: {  	_ = 	snop;
	(pc) =	sbr.rel @p0 .LBB2_6-.Ltmp2, $1  }
0x1a: {  	_ =	sdelay $0x3  }
0x1b: {  	s20 =	smul.u32 $0x4E20, s20;
	_ =	sdelay $0x1  }
0x1c: {  	s21 =	sshrl.u32 s20, $0x3  }
0x1d: {  	s22 =	sadd.s32 s1, s21  }
0x1e: {  	[tilespmem:s9], [sflag:$0x3] =	stream.linear.gather [hbm4b:s22+s4], $0x4E20, $0x38;
	[tilespmem:$0x1EFA8] =	vst v63  }
0x1f: {  	_ =	swait.ge [sflag:s10], $0x4E20  }
0x20: {  	[sflag:s10] =	ssyncset.done $0x0  }
0x21: {  	s21 =	sadd.s32 s2, s21;
	[sflag:s10] =	ssyncadd.s32 $0xFFFFB1E0  }
0x22: {  	[tilespmem:s11], [sflag:$0x3] =	stream.linear.gather [hbm4b:s21+s4], $0x4E20, $0x38;
	[tilespmem:$0x1EFA8] =	vst v63  }
0x23: {  	_ =	swait.ge [sflag:s10], $0x4E20  }
0x24: {  	[sflag:s10] =	ssyncset.done $0x0  }
0x25: {  	s21 =	simm.s32 $0xF468;
	[sflag:s10] =	ssyncadd.s32 $0xFFFFB1E0  }
0x26: {  	s22 =	simm.s32 $0x142E8;
	v0 =	vld [tilespmem:s21+$0xFFFFFFC0]  }
0x27: {  	v1 =	vld [tilespmem:s22+$0xFFFFFFC0];
	_ =	sdelay $0x4  }
0x28: {  	v0 =	vadd.s32 $0x8000, v0;
	v1 =	vadd.s32 $0x8000, v1  }
0x29: {  	v0 =	vshrl.u32 v0, $0x10;
	v1 =	vand.u32 $0xFFFF0000, v1  }
0x2a: {  	s23 =	simm.s32 $0x19168;
	v0 =	vor.u32 v0, v1  }
0x2b: {  	[tilespmem:s23+$0xFFFFFFC0] =	vst v0  }
0x2c: {  	v0 =	vld [tilespmem:s22+$0xFFFFFFD0]  }
0x2d: {  	v1 =	vld [tilespmem:s21+$0xFFFFFFD0];
	_ =	sdelay $0x4  }
0x2e: {  	v0 =	vadd.s32 $0x8000, v0;
	v1 =	vadd.s32 $0x8000, v1  }
0x2f: {  	v0 =	vand.u32 $0xFFFF0000, v0;
	v1 =	vshrl.u32 v1, $0x10  }
0x30: {  	v0 =	vor.u32 v1, v0  }
0x31: {  	[tilespmem:s23+$0xFFFFFFD0] =	vst v0  }
0x32: {  	v0 =	vld [tilespmem:s21+$0xFFFFFFE0]  }
0x33: {  	v1 =	vld [tilespmem:s22+$0xFFFFFFE0];
	_ =	sdelay $0x4  }
0x34: {  	v0 =	vadd.s32 $0x8000, v0;
	v1 =	vadd.s32 $0x8000, v1  }
0x35: {  	v0 =	vshrl.u32 v0, $0x10;
	v1 =	vand.u32 $0xFFFF0000, v1  }
0x36: {  	v0 =	vor.u32 v0, v1  }
0x37: {  	[tilespmem:s23+$0xFFFFFFE0] =	vst v0  }
0x38: {  	v0 =	vld [tilespmem:s21+$0xFFFFFFF0]  }
0x39: {  	v1 =	vld [tilespmem:s22+$0xFFFFFFF0];
	_ =	sdelay $0x4  }
0x3a: {  	v0 =	vadd.s32 $0x8000, v0;
	v1 =	vadd.s32 $0x8000, v1  }
0x3b: {  	v0 =	vshrl.u32 v0, $0x10;
	v1 =	vand.u32 $0xFFFF0000, v1  }
0x3c: {  	v0 =	vor.u32 v0, v1  }
0x3d: {  	[tilespmem:s23+$0xFFFFFFF0] =	vst v0  }
0x3e: {  	v0 =	vld [tilespmem:s21+$0x0]  }
0x3f: {  	v1 =	vld [tilespmem:s22+$0x0];
	_ =	sdelay $0x4  }
0x40: {  	v0 =	vadd.s32 $0x8000, v0;
	v1 =	vadd.s32 $0x8000, v1  }
0x41: {  	v0 =	vshrl.u32 v0, $0x10;
	v1 =	vand.u32 $0xFFFF0000, v1  }
0x42: {  	v0 =	vor.u32 v0, v1  }
0x43: {  	[tilespmem:s23+$0x0] =	vst v0  }
0x44: {  	v0 =	vld [tilespmem:s21+$0x10]  }
0x45: {  	v1 =	vld [tilespmem:s22+$0x10];
	_ =	sdelay $0x4  }
0x46: {  	v0 =	vadd.s32 $0x8000, v0;
	v1 =	vadd.s32 $0x8000, v1  }
0x47: {  	v0 =	vshrl.u32 v0, $0x10;
	v1 =	vand.u32 $0xFFFF0000, v1  }
0x48: {  	v0 =	vor.u32 v0, v1  }
0x49: {  	[tilespmem:s23+$0x10] =	vst v0  }
0x4a: {  	v0 =	vld [tilespmem:s21+$0x20]  }
0x4b: {  	v1 =	vld [tilespmem:s22+$0x20];
	_ =	sdelay $0x4  }
0x4c: {  	v0 =	vadd.s32 $0x8000, v0;
	v1 =	vadd.s32 $0x8000, v1  }
0x4d: {  	v0 =	vshrl.u32 v0, $0x10;
	v1 =	vand.u32 $0xFFFF0000, v1  }
0x4e: {  	v0 =	vor.u32 v0, v1  }
0x4f: {  	[tilespmem:s23+$0x20] =	vst v0  }
0x50: {  	v0 =	vld [tilespmem:s21+$0x30]  }
0x51: {  	s24 =	simm.s32 $0x0;
	s25 =	simm.s32 $0x191E8;
	v1 =	vld [tilespmem:s22+$0x30]  }
.LBB2_4:
0x52: {  	s24 =	sadd.s32 $0x8, s24;
	s21 =	sadd.s32 $0x80, s21;
	s22 =	sadd.s32 $0x80, s22  }
0x53: {  	p0 =	slt.u32 s24, $0x4D8;
	_ =	sdelay $0x1  }
0x54: {  	v0 =	vadd.s32 $0x8000, v0  }
0x55: {  	v0 =	vshrl.u32 v0, $0x10;
	v1 =	vadd.s32 $0x8000, v1  }
0x56: {  	v1 =	vand.u32 $0xFFFF0000, v1  }
0x57: {  	v0 =	vor.u32 v0, v1  }
0x58: {  	[tilespmem:s23+$0x30] =	vst v0;
	s23 =	smov.u32 s25  }
0x59: {  	v0 =	vld [tilespmem:s21+$0xFFFFFFC0]  }
0x5a: {  	v1 =	vld [tilespmem:s22+$0xFFFFFFC0];
	_ =	sdelay $0x3  }
0x5b: {  	v0 =	vadd.s32 $0x8000, v0  }
0x5c: {  	v1 =	vadd.s32 $0x8000, v1  }
0x5d: {  	v0 =	vshrl.u32 v0, $0x10;
	v1 =	vand.u32 $0xFFFF0000, v1  }
0x5e: {  	v0 =	vor.u32 v0, v1  }
0x5f: {  	[tilespmem:s25+$0xFFFFFFC0] =	vst v0  }
0x60: {  	v0 =	vld [tilespmem:s22+$0xFFFFFFD0]  }
0x61: {  	v1 =	vld [tilespmem:s21+$0xFFFFFFD0];
	_ =	sdelay $0x3  }
0x62: {  	v0 =	vadd.s32 $0x8000, v0  }
0x63: {  	v1 =	vadd.s32 $0x8000, v1;
	v0 =	vand.u32 $0xFFFF0000, v0  }
0x64: {  	v1 =	vshrl.u32 v1, $0x10  }
0x65: {  	v0 =	vor.u32 v1, v0  }
0x66: {  	[tilespmem:s25+$0xFFFFFFD0] =	vst v0  }
0x67: {  	v0 =	vld [tilespmem:s21+$0xFFFFFFE0]  }
0x68: {  	v1 =	vld [tilespmem:s22+$0xFFFFFFE0];
	_ =	sdelay $0x3  }
0x69: {  	v0 =	vadd.s32 $0x8000, v0  }
0x6a: {  	v0 =	vshrl.u32 v0, $0x10;
	v1 =	vadd.s32 $0x8000, v1  }
0x6b: {  	v1 =	vand.u32 $0xFFFF0000, v1  }
0x6c: {  	v0 =	vor.u32 v0, v1  }
0x6d: {  	[tilespmem:s25+$0xFFFFFFE0] =	vst v0  }
0x6e: {  	v0 =	vld [tilespmem:s21+$0xFFFFFFF0]  }
0x6f: {  	v1 =	vld [tilespmem:s22+$0xFFFFFFF0];
	_ =	sdelay $0x3  }
0x70: {  	v0 =	vadd.s32 $0x8000, v0  }
0x71: {  	v0 =	vshrl.u32 v0, $0x10;
	v1 =	vadd.s32 $0x8000, v1  }
0x72: {  	v1 =	vand.u32 $0xFFFF0000, v1  }
0x73: {  	v0 =	vor.u32 v0, v1  }
0x74: {  	[tilespmem:s25+$0xFFFFFFF0] =	vst v0  }
0x75: {  	v0 =	vld [tilespmem:s21+$0x0]  }
0x76: {  	v1 =	vld [tilespmem:s22+$0x0];
	_ =	sdelay $0x3  }
0x77: {  	v0 =	vadd.s32 $0x8000, v0  }
0x78: {  	v0 =	vshrl.u32 v0, $0x10;
	v1 =	vadd.s32 $0x8000, v1  }
0x79: {  	v1 =	vand.u32 $0xFFFF0000, v1  }
0x7a: {  	v0 =	vor.u32 v0, v1  }
0x7b: {  	[tilespmem:s25+$0x0] =	vst v0  }
0x7c: {  	v0 =	vld [tilespmem:s21+$0x10]  }
0x7d: {  	v1 =	vld [tilespmem:s22+$0x10];
	_ =	sdelay $0x3  }
0x7e: {  	v0 =	vadd.s32 $0x8000, v0  }
0x7f: {  	v0 =	vshrl.u32 v0, $0x10;
	v1 =	vadd.s32 $0x8000, v1  }
0x80: {  	v1 =	vand.u32 $0xFFFF0000, v1  }
0x81: {  	v0 =	vor.u32 v0, v1  }
0x82: {  	[tilespmem:s25+$0x10] =	vst v0  }
0x83: {  	v0 =	vld [tilespmem:s21+$0x20]  }
0x84: {  	v1 =	vld [tilespmem:s22+$0x20];
	_ =	sdelay $0x3  }
0x85: {  	v0 =	vadd.s32 $0x8000, v0  }
0x86: {  	v0 =	vshrl.u32 v0, $0x10;
	v1 =	vadd.s32 $0x8000, v1  }
.Ltmp3:
0x87: {  	v1 =	vand.u32 $0xFFFF0000, v1;
	(pc) =	sbr.rel @p0 .LBB2_4-.Ltmp3, $4  }
0x88: {  	v0 =	vor.u32 v0, v1  }
0x89: {  	[tilespmem:s25+$0x20] =	vst v0  }
0x8a: {  	v0 =	vld [tilespmem:s21+$0x30]  }
0x8b: {  	s25 =	sadd.s32 $0x80, s25;
	v1 =	vld [tilespmem:s22+$0x30]  }
0x8c: {  	_ =	sdelay $0x3  }
0x8d: {  	v0 =	vadd.s32 $0x8000, v0;
	v1 =	vadd.s32 $0x8000, v1  }
0x8e: {  	v0 =	vshrl.u32 v0, $0x10;
	v1 =	vand.u32 $0xFFFF0000, v1  }
0x8f: {  	v0 =	vor.u32 v0, v1  }
0x90: {  	[tilespmem:s23+$0x30] =	vst v0  }
0x91: {  	v0 =	vld [tilespmem:$0x14228]  }
0x92: {  	v60 =	vld [tilespmem:$0x190A8]  }
0x93: {  	v2 =	vld [tilespmem:$0x14238]  }
0x94: {  	v3 =	vld [tilespmem:$0x190B8];
	_ =	sdelay $0x3  }
0x95: {  	v0 =	vadd.s32 $0x8000, v0;
	v1 =	vadd.s32 $0x8000, v60;
	v2 =	vadd.s32 $0x8000, v2  }
0x96: {  	v3 =	vadd.s32 $0x8000, v3;
	v0 =	vshrl.u32 v0, $0x10;
	v1 =	vand.u32 $0xFFFF0000, v1  }
0x97: {  	v61 =	vshrl.u32 v2, $0x10;
	v62 =	vand.u32 $0xFFFF0000, v3;
	v0 =	vor.u32 v0, v1  }
0x98: {  	v63 =	vor.u32 v61, v62;
	[tilespmem:$0x1DF28] =	vst v0  }
.Ltmp4:
0x99: {  	s20 =	sadd.s32 s20, s3;
	[tilespmem:$0x1DF38] =	vst v63;
	(pc) =	sbr.rel .LBB2_6-.Ltmp4, $4  }
0x9a: {  	[spmem:s20] =	stream.linear.scatter [tilespmem:s12], [sflag:$0x2], $0x4E20, $0x38;
	[tilespmem:$0x1EFA8] =	vst v63  }
0x9b: {  	_ =	swait.ge [sflag:s13], $0x4E20  }
0x9c: {  	[sflag:s13] =	ssyncset.done $0x0  }
0x9d: {  	[sflag:s13] =	ssyncadd.s32 $0xFFFFB1E0  }
.LBB2_7:
0x9e: {  	[bflag:$0x0] =	sbarrier.arrive $0xFFFF;
	s19 =	sadd.s32 $0x0, s8  }
0x9f: {  	[tilespmem:s14], [sflag:$0x2] =	stream.linear.gather [hbm4b:s19+s4], $0x800, $0x38;
	[tilespmem:$0x1EFA8] =	vst v63  }
0xa0: {  	_ =	swait.ge [sflag:s13], $0x800  }
0xa1: {  	[sflag:s13] =	ssyncset.done $0x0  }
0xa2: {  	[sflag:s13] =	ssyncadd.s32 $0xFFFFF800  }
0xa3: {  	[tilespmem:s16], [sflag:$0x1] =	stream.indirect.gather [spmem:s3], $0x1, s14, s15, $0xb8;
	[tilespmem:$0x1EFA8] =	vst v63  }
0xa4: {  	_ =	swait.ge [sflag:s17], $0x800  }
0xa5: {  	[sflag:s17] =	ssyncset.done $0x0  }
0xa6: {  	s31 =	sadd.s32 $0x0, s7;
	[sflag:s17] =	ssyncadd.s32 $0xFFFFF800  }
0xa7: {  	[hbm4b:s31+s4] =	stream.linear.scatter [tilespmem:s16], [sflag:$0x2], $0x800, $0x38;
	[tilespmem:$0x1EFA8] =	vst v63  }
0xa8: {  	_ =	swait.ge [sflag:s13], $0x800  }
0xa9: {  	s20 =	simm.s32 $0x200;
	s19 =	simm.s32 $0x100;
	[sflag:s13] =	ssyncset.done $0x0  }
.LBB2_8:
0xaa: {  	s21 =	sadd.s32 s19, s8  }
0xab: {  	[sflag:s13] =	ssyncadd.s32 $0xFFFFF800;
	s22 =	smov.u32 s20;
	s23 =	sadd.s32 $0x100, s20  }
0xac: {  	[tilespmem:s14], [sflag:$0x2] =	stream.linear.gather [hbm4b:s21+s4], $0x800, $0x38;
	[tilespmem:$0x1EFA8] =	vst v63  }
0xad: {  	p0 =	sne.s32 s20, $0xF00;
	_ =	swait.ge [sflag:s13], $0x800  }
0xae: {  	[sflag:s13] =	ssyncset.done $0x0  }
0xaf: {  	[sflag:s13] =	ssyncadd.s32 $0xFFFFF800  }
0xb0: {  	[tilespmem:s16], [sflag:$0x1] =	stream.indirect.gather [spmem:s3], $0x1, s14, s15, $0xb8;
	[tilespmem:$0x1EFA8] =	vst v63  }
0xb1: {  	_ =	swait.ge [sflag:s17], $0x800  }
.Ltmp5:
0xb2: {  	[sflag:s17] =	ssyncset.done $0x0;
	(pc) =	sbr.rel @p0 .LBB2_8-.Ltmp5, $4  }
0xb3: {  	s20 =	sadd.s32 s19, s7;
	s19 =	smov.u32 s22;
	[sflag:s17] =	ssyncadd.s32 $0xFFFFF800  }
0xb4: {  	[hbm4b:s20+s4] =	stream.linear.scatter [tilespmem:s16], [sflag:$0x2], $0x800, $0x38;
	[tilespmem:$0x1EFA8] =	vst v63  }
0xb5: {  	_ =	swait.ge [sflag:s13], $0x800  }
0xb6: {  	s20 =	smov.u32 s23;
	[sflag:s13] =	ssyncset.done $0x0  }
0xb7: {  	s20 =	sadd.s32 s19, s8;
	[sflag:s13] =	ssyncadd.s32 $0xFFFFF800  }
0xb8: {  	[tilespmem:s14], [sflag:$0x2] =	stream.linear.gather [hbm4b:s20+s4], $0x800, $0x38;
	[tilespmem:$0x1EFA8] =	vst v63  }
0xb9: {  	_ =	swait.ge [sflag:s13], $0x800  }
0xba: {  	[sflag:s13] =	ssyncset.done $0x0  }
0xbb: {  	[sflag:s13] =	ssyncadd.s32 $0xFFFFF800  }
0xbc: {  	[tilespmem:s16], [sflag:$0x1] =	stream.indirect.gather [spmem:s3], $0x1, s14, s15, $0xb8;
	[tilespmem:$0x1EFA8] =	vst v63  }
0xbd: {  	s18 =	sadd.s32 $0x1, s18;
	_ =	swait.ge [sflag:s17], $0x800  }
0xbe: {  	p0 =	sne.s32 s18, s6;
	[sflag:s17] =	ssyncset.done $0x0  }
.Ltmp6:
0xbf: {  	s31 =	sadd.s32 s19, s7;
	[sflag:s17] =	ssyncadd.s32 $0xFFFFF800;
	(pc) =	sbr.rel @p0 .LBB2_1-.Ltmp6, $4  }
0xc0: {  	[hbm4b:s31+s4] =	stream.linear.scatter [tilespmem:s16], [sflag:$0x2], $0x800, $0x38;
	[tilespmem:$0x1EFA8] =	vst v63  }
0xc1: {  	_ =	swait.ge [sflag:s13], $0x800  }
0xc2: {  	[sflag:s13] =	ssyncset.done $0x0  }
0xc3: {  	[sflag:s13] =	ssyncadd.s32 $0xFFFFF800  }
0xc4: {  	_ =	sfence.sel $0x180000  }
0xc5: {  	[bflag:$0x0] =	sbarrier.arrive $0xFFFF  }
0xc6: {  	p0 =	sne.s32 s5, $0x0;
	_ =	strace $0x90000047  }
0xc7: {  	s0 =	sadd.s32 @!p0 $0x100000, s0;
	[bflag:$0x2] =	sbarrier.arrive $0xFFFF  }
0xc8: {  	[sflag:s0] =	ssyncadd.tile.s32 @!p0 $0x1;
	_ =	shalt  }
.Lfunc_end2:
_tile_overlayer_lowered:
.L_overlay_start_2:
0xc9: {  	(tag) =	ssettag $0x2  }
0xca: {  	s0 =	rddreg [dreg:$0x0];
	s2 =	stileid.u32  }
0xcb: {  	s1 =	rddreg [dreg:$0x1];
	p0 =	sne.s32 s2, $0x0  }
0xcc: {  	s3 =	rddreg [dreg:$0x2];
	[bflag:$0x3] =	sbarrier.arrive $0xFFFF;
	s2 =	simm.s32 @!p0 $0x1C02  }
0xcd: {  	[timem:s3], [sflag:s2] =	dma.local @!p0 [hbm:s0], s1  }
0xce: {  	s0 =	simm.s32 @!p0 $0x2  }
0xcf: {  	_ =	swait.ge @!p0 [sflag:s0], s1  }
0xd0: {  	s1 =	ssub.s32 @!p0 $0x0, s1;
	[sflag:s0] =	ssyncset.done @!p0 $0x0  }
0xd1: {  	[sflag:s0] =	ssyncadd.s32 @!p0 s1  }
0xd2: {  	[bflag:$0x3] =	sbarrier.arrive $0xFFFF  }
0xd3: {  	_ =	shalt  }

</sc_bundles>
